<compile_context>
chip_gen: v7x
topology: tpu7x:2x2x1
jax: 0.10.2.dev20260603
libtpu: 0.0.44.dev20260713+nightly
codegen_flags: <defaults>
</compile_context>

<pallas_src>
import jax
import jax.numpy as jnp
from jax.experimental import pallas as pl

_NUM_SAMPLED = 65536


def _sobel_grads(img_gray):
    sx = jnp.array([[-1.0, 0.0, 1.0], [-2.0, 0.0, 2.0], [-1.0, 0.0, 1.0]],
                   dtype=jnp.float32)
    sy = jnp.array([[-1.0, -2.0, -1.0], [0.0, 0.0, 0.0], [1.0, 2.0, 1.0]],
                   dtype=jnp.float32)
    x = img_gray[None, None, :, :]
    gx = jax.lax.conv_general_dilated(x, sx[None, None, :, :], (1, 1), 'SAME')
    gy = jax.lax.conv_general_dilated(x, sy[None, None, :, :], (1, 1), 'SAME')
    return gx[0, 0], gy[0, 0]


def _coords_body(idx_ref, w_ref, h_ref):
    idx = idx_ref[...]
    w = idx % 2048
    h = idx // 2048
    w_ref[...] = w.astype(jnp.float32) * (1.0 / 2048.0)
    h_ref[...] = h.astype(jnp.float32) * (1.0 / 2048.0)


def kernel(target_image):
    C, H, W = target_image.shape
    rgb_w = jnp.array([0.299, 0.587, 0.114], dtype=jnp.float32).reshape(3, 1, 1)
    img_gray = (target_image * rgb_w).sum(axis=0)
    gx, gy = _sobel_grads(img_gray)
    grad_mag = jnp.sqrt(gx * gx + gy * gy + 1e-12)
    prob_flat = grad_mag.reshape(-1)
    prob_flat = prob_flat / (prob_flat.sum() + 1e-12)
    gkey = jax.random.fold_in(jax.random.key(0), 1)
    u = jax.random.uniform(gkey, prob_flat.shape, dtype=jnp.float32,
                           minval=1e-10, maxval=1.0)
    gumbel = -jnp.log(-jnp.log(u))
    scores = jnp.log(prob_flat + 1e-12) + gumbel
    _, sampled_indices = jax.lax.top_k(scores, _NUM_SAMPLED)

    idx2d = sampled_indices.reshape(512, 128)
    wq, hq = pl.pallas_call(
        _coords_body,
        out_shape=(jax.ShapeDtypeStruct((512, 128), jnp.float32),
                   jax.ShapeDtypeStruct((512, 128), jnp.float32)),
    )(idx2d)
    sampled_coords = jnp.stack([wq.reshape(-1), hq.reshape(-1)], axis=1)

    h_idx = sampled_indices // W
    w_idx = sampled_indices % W
    colors = target_image[:, h_idx, w_idx].T
    return sampled_indices, sampled_coords, colors

# --- scband reference (transcript-rebuilt; emitter-appended) ---
"""Pipeline reference for scband-image-gs-rs-30751965839962 (READ-ONLY COPY).

The authoritative reference and input builder live on the scoring server;
editing this copy changes nothing except your own understanding.
"""

import jax, jax.numpy as jnp
import numpy as np

NUM_SAMPLED = 65536  # init_num_points = num_points // 2

def _sobel(img_gray):
    sx = jnp.array([[-1.0, 0.0, 1.0], [-2.0, 0.0, 2.0], [-1.0, 0.0, 1.0]], dtype=jnp.float32)
    sy = jnp.array([[-1.0, -2.0, -1.0], [0.0, 0.0, 0.0], [1.0, 2.0, 1.0]], dtype=jnp.float32)
    x = img_gray[None, None, :, :]
    gx = jax.lax.conv_general_dilated(x, sx[None, None, :, :], (1, 1), 'SAME')
    gy = jax.lax.conv_general_dilated(x, sy[None, None, :, :], (1, 1), 'SAME')
    return gx[0, 0], gy[0, 0]

def setup_inputs(seed: int = 0) -> dict:
    key = jax.random.key(seed)
    target_image = jax.random.uniform(key, (3, 2048, 2048), dtype=jnp.float32)
    return {"target_image": target_image}

def reference(target_image):
    C, H, W = target_image.shape
    # grayscale
    rgb_w = jnp.array([0.299, 0.587, 0.114], dtype=jnp.float32).reshape(3, 1, 1)
    img_gray = (target_image * rgb_w).sum(axis=0)
    # gradient-magnitude probability map (content-adaptive init)
    gx, gy = _sobel(img_gray)
    grad_mag = jnp.sqrt(gx * gx + gy * gy + 1e-12)
    prob_flat = grad_mag.reshape(-1)
    prob_flat = prob_flat / (prob_flat.sum() + 1e-12)
    # multinomial sampling WITHOUT replacement over H*W categories via Gumbel top-k
    gkey = jax.random.fold_in(jax.random.key(0), 1)
    u = jax.random.uniform(gkey, prob_flat.shape, dtype=jnp.float32, minval=1e-10, maxval=1.0)
    gumbel = -jnp.log(-jnp.log(u))
    scores = jnp.log(prob_flat + 1e-12) + gumbel
    _, sampled_indices = jax.lax.top_k(scores, NUM_SAMPLED)
    # normalized coords (w, h) as in sample_points_pytorch
    h_idx = sampled_indices // W
    w_idx = sampled_indices % W
    sampled_coords = jnp.stack([w_idx.astype(jnp.float32) / W, h_idx.astype(jnp.float32) / H], axis=1)
    # sample colors at sampled locations (gather), as in sample_colors_pytorch
    colors = target_image[:, h_idx, w_idx].T
    return sampled_indices, sampled_coords, colors

if __name__ == "__main__":
    import jax
    _d = setup_inputs()
    print(jax.jit(kernel)(*tuple(_d.values())))

</pallas_src>

<mosaic_0001>
module attributes {stable_mosaic.version = 14 : i64} {
  func.func @_coords_body(%arg0: memref<512x128xi32, #tpu.memory_space<vmem>>, %arg1: memref<512x128xf32, #tpu.memory_space<vmem>>, %arg2: memref<512x128xf32, #tpu.memory_space<vmem>>) attributes {dimension_semantics = [], scalar_prefetch = 0 : i64, scratch_operands = 0 : i64, tpu.core_type = #tpu.core_type<tc>} {
    %get3A = arith.constant 0 : index
    %get3A_0 = arith.constant 0 : index
    %get3A_1 = vector.load %arg0[%get3A, %get3A_0] : memref<512x128xi32, #tpu.memory_space<vmem>>, vector<512x128xi32>
    %jit3A = arith.constant 2048 : i32
    %eq3A = arith.constant 0 : i32
    %eq3A_2 = arith.cmpi eq, %jit3A, %eq3A : i32
    %jit3A_3 = arith.constant 1 : i32
    %select_n3A = arith.select %eq3A_2, %jit3A_3, %jit3A : i32
    %rem3A = vector.broadcast %select_n3A : i32 to vector<512x128xi32>
    %rem3A_4 = arith.remsi %get3A_1, %rem3A : vector<512x128xi32>
    %ne3A = arith.constant 0 : i32
    %ne3A_5 = vector.broadcast %ne3A : i32 to vector<512x128xi32>
    %ne3A_6 = arith.cmpi ne, %rem3A_4, %ne3A_5 : vector<512x128xi32>
    %lt3A = arith.constant 0 : i32
    %lt3A_7 = vector.broadcast %lt3A : i32 to vector<512x128xi32>
    %lt3A_8 = arith.cmpi slt, %rem3A_4, %lt3A_7 : vector<512x128xi32>
    %lt3A_9 = arith.constant 0 : i32
    %lt3A_10 = arith.cmpi slt, %select_n3A, %lt3A_9 : i32
    %ne3A_11 = vector.broadcast %lt3A_10 : i1 to vector<512x128xi1>
    %ne3A_12 = vector.broadcast %ne3A_11 : vector<512x128xi1> to vector<512x128xi1>
    %ne3A_13 = arith.xori %lt3A_8, %ne3A_12 : vector<512x128xi1>
    %and3A = arith.andi %ne3A_13, %ne3A_6 : vector<512x128xi1>
    %add3A = vector.broadcast %select_n3A : i32 to vector<512x128xi32>
    %add3A_14 = arith.addi %rem3A_4, %add3A : vector<512x128xi32>
    %select_n3A_15 = arith.select %and3A, %add3A_14, %rem3A_4 : vector<512x128xi1>, vector<512x128xi32>
    %jit3A_16 = arith.constant 2048 : i32
    %div3A = vector.broadcast %jit3A_16 : i32 to vector<512x128xi32>
    %div3A_17 = arith.divsi %get3A_1, %div3A : vector<512x128xi32>
    %sign3A = arith.constant 0 : i32
    %sign3A_18 = vector.broadcast %sign3A : i32 to vector<512x128xi32>
    %sign3A_19 = arith.cmpi sgt, %get3A_1, %sign3A_18 : vector<512x128xi32>
    %sign3A_20 = arith.extui %sign3A_19 : vector<512x128xi1> to vector<512x128xi32>
    %sign3A_21 = arith.constant 0 : i32
    %sign3A_22 = vector.broadcast %sign3A_21 : i32 to vector<512x128xi32>
    %sign3A_23 = arith.cmpi slt, %get3A_1, %sign3A_22 : vector<512x128xi32>
    %sign3A_24 = arith.extui %sign3A_23 : vector<512x128xi1> to vector<512x128xi32>
    %sign3A_25 = arith.subi %sign3A_20, %sign3A_24 : vector<512x128xi32>
    %sign3A_26 = arith.constant 0 : i32
    %sign3A_27 = arith.cmpi sgt, %jit3A_16, %sign3A_26 : i32
    %sign3A_28 = arith.extui %sign3A_27 : i1 to i32
    %sign3A_29 = arith.constant 0 : i32
    %sign3A_30 = arith.cmpi slt, %jit3A_16, %sign3A_29 : i32
    %sign3A_31 = arith.extui %sign3A_30 : i1 to i32
    %sign3A_32 = arith.subi %sign3A_28, %sign3A_31 : i32
    %ne3A_33 = vector.broadcast %sign3A_32 : i32 to vector<512x128xi32>
    %ne3A_34 = arith.cmpi ne, %sign3A_25, %ne3A_33 : vector<512x128xi32>
    %rem3A_35 = vector.broadcast %jit3A_16 : i32 to vector<512x128xi32>
    %rem3A_36 = arith.remsi %get3A_1, %rem3A_35 : vector<512x128xi32>
    %ne3A_37 = arith.constant 0 : i32
    %ne3A_38 = vector.broadcast %ne3A_37 : i32 to vector<512x128xi32>
    %ne3A_39 = arith.cmpi ne, %rem3A_36, %ne3A_38 : vector<512x128xi32>
    %and3A_40 = arith.andi %ne3A_34, %ne3A_39 : vector<512x128xi1>
    %sub3A = arith.constant 1 : i32
    %sub3A_41 = vector.broadcast %sub3A : i32 to vector<512x128xi32>
    %sub3A_42 = arith.subi %div3A_17, %sub3A_41 : vector<512x128xi32>
    %select_n3A_43 = arith.select %and3A_40, %sub3A_42, %div3A_17 : vector<512x128xi1>, vector<512x128xi32>
    %convert_element_type3A = arith.sitofp %select_n3A_15 : vector<512x128xi32> to vector<512x128xf32>
    %mul3A = arith.constant 4.8828125E-4 : f32
    %mul3A_44 = vector.broadcast %mul3A : f32 to vector<512x128xf32>
    %mul3A_45 = arith.mulf %convert_element_type3A, %mul3A_44 : vector<512x128xf32>
    %swap3A = arith.constant 0 : index
    %swap3A_46 = arith.constant 0 : index
    %swap3A_47 = vector.load %arg1[%swap3A, %swap3A_46] : memref<512x128xf32, #tpu.memory_space<vmem>>, vector<512x128xf32>
    tpu.vector_store %arg1[%swap3A, %swap3A_46], %mul3A_45 {strides = array<i32>} : memref<512x128xf32, #tpu.memory_space<vmem>>, vector<512x128xf32>,
    %convert_element_type3A_48 = arith.sitofp %select_n3A_43 : vector<512x128xi32> to vector<512x128xf32>
    %mul3A_49 = arith.constant 4.8828125E-4 : f32
    %mul3A_50 = vector.broadcast %mul3A_49 : f32 to vector<512x128xf32>
    %mul3A_51 = arith.mulf %convert_element_type3A_48, %mul3A_50 : vector<512x128xf32>
    %swap3A_52 = arith.constant 0 : index
    %swap3A_53 = arith.constant 0 : index
    %swap3A_54 = vector.load %arg2[%swap3A_52, %swap3A_53] : memref<512x128xf32, #tpu.memory_space<vmem>>, vector<512x128xf32>
    tpu.vector_store %arg2[%swap3A_52, %swap3A_53], %mul3A_51 {strides = array<i32>} : memref<512x128xf32, #tpu.memory_space<vmem>>, vector<512x128xf32>,
    return
  }
}

</mosaic_0001>

<sc_bundles>
// kernel: gather_offload_async_start
scs
__scs_entry_jumppad:
0x0: {  	(pc) =	sbr.rel $0x88, $3  }
0x1: {  	(tag) =	ssettag $0x0;
	lr =	simm.s32 $0x1  }
0x2: {  	[smem:$0x3FA0] =	sst lr;
	_ =	strace $0xD0000000  }
0x3: {  	_ = 	snop  }
0x4: {  	_ = 	snop  }
0x5: {  	_ = 	snop  }
0x6: {  	_ = 	snop  }
0x7: {  	_ = 	snop  }
__scs_overlays_trampoline_lowered:
0x8: {  	[smem:$0x3FAF] =	sst s0  }
0x9: {  	[smem:$0x3FB0] =	sst s1  }
0xa: {  	[smem:$0x3FB1] =	sst s2  }
0xb: {  	[smem:$0x3FB2] =	sst s3  }
0xc: {  	[smem:$0x3FB3] =	sst s4  }
0xd: {  	[smem:$0x3FB4] =	sst s5  }
0xe: {  	[smem:$0x3FB5] =	sst s6  }
0xf: {  	[smem:$0x3FB6] =	sst s7  }
0x10: {  	[smem:$0x3FB7] =	sst s8  }
0x11: {  	[smem:$0x3FB8] =	sst s9;
	s0 =	simm.s32 @!p0 $0x0  }
0x12: {  	s1 =	sld [smem:$0x3F9E];
	s0 =	simm.s32 @p0 $0x1  }
0x13: {  	[smem:$0x3FB9] =	sst s0;
	s0 =	simm.s32 @!p1 $0x0  }
0x14: {  	s2 =	sld [smem:$0x3F9D];
	s0 =	simm.s32 @p1 $0x1  }
0x15: {  	[smem:$0x3FBA] =	sst s0;
	s0 =	simm.s32 @!p2 $0x0  }
0x16: {  	s3 =	sld [smem:$0x3FDB];
	s0 =	simm.s32 @p2 $0x1  }
0x17: {  	s4 =	simm.s32 $0x1BF5;
	[smem:$0x3FBC] =	sst s0  }
0x18: {  	s0 =	sld [smem:$0x3F9F];
	_ =	swait.ge [sflag:s4], $0x0  }
0x19: {  	s7 =	sld [smem:$0x3FA0]  }
0x1a: {  	s8 =	sadd.s32 $0xFFFFE003, lr  }
0x1b: {  	s9 =	sadd.s32 $0xFFFFFEF7, lr;
	s5 =	simm.s32 $0xFFFFFFFF;
	p2 =	slt.u32 s8, $0xFFFFF086  }
0x1c: {  	p1 =	slt.u32 s9, $0xF7A;
	s5 =	simm.s32 @!p2 $0x0  }
0x1d: {  	s5 =	simm.s32 @p1 $0x1;
	p0 =	seq.s32 s7, s2  }
0x1e: {  	s7 =	smul.u32 @!p0 $0xF7A, s2;
	p2 =	seq.s32 @!p0 s5, $0x0  }
0x1f: {  	s9 =	smul.u32 $0xF7A, s1;
	s8 =	simm.s32 @!p0 $0x1BF5;
	p2 =	por !p2, p0  }
0x20: {  	[sflag:s8] =	ssyncset.s32 @!p0 $0xFFFFF086;
	s6 =	sadd.s32 @!p0 s3, s7;
	s7 =	simm.s32 @!p0 $0x108  }
0x21: {  	s3 =	sadd.s32 s3, s9;
	s6 =	sadd.s32 @!p0 $0x88, s6;
	s7 =	simm.s32 @p2 $0x1082  }
0x22: {  	[simem:s7], [sflag:s8] =	dma.local @!p0 [hbm:s6], $0xF7A  }
0x23: {  	s9 =	sor.u32 $0xD0000000, s2;
	s6 =	simm.s32 $0x108;
	_ =	swait.ge @!p0 [sflag:s8], $0x0  }
0x24: {  	s3 =	sadd.s32 $0x88, s3;
	s6 =	simm.s32 @!p1 $0x1082;
	[sflag:s4] =	ssyncset.s32 $0xFFFFF086  }
0x25: {  	[simem:s6], [sflag:s4] =	dma.local [hbm:s3], $0xF7A  }
0x26: {  	[smem:$0x3FA0] =	sst s1;
	(tag) =	ssettag s2;
	_ =	strace s9  }
0x27: {  	s1 =	sld [smem:$0x3FB0]  }
0x28: {  	s2 =	sld [smem:$0x3FB1]  }
0x29: {  	s4 =	sld [smem:$0x3FB3]  }
0x2a: {  	p0 =	seq.s32 s5, $0x0;
	s5 =	sld [smem:$0x3FB4]  }
0x2b: {  	s6 =	sld [smem:$0x3FB5]  }
0x2c: {  	s7 =	sld [smem:$0x3FB6]  }
0x2d: {  	s3 =	simm.s32 $0x108;
	s8 =	sld [smem:$0x3FB7]  }
0x2e: {  	s3 =	simm.s32 @!p0 $0x1082;
	s9 =	sld [smem:$0x3FB8]  }
0x2f: {  	lr =	sadd.s32 s0, s3;
	s0 =	sld [smem:$0x3FAF]  }
0x30: {  	s3 =	sld [smem:$0x3FB2]  }
0x31: {  	[smem:$0x3FBB] =	sst s10  }
0x32: {  	s10 =	sld [smem:$0x3FB9];
	_ =	sdelay $0x3  }
0x33: {  	p0 =	seq.s32 s10, $0x1;
	s10 =	sld [smem:$0x3FBB];
	_ =	sdelay $0x3  }
0x34: {  	[smem:$0x3FBB] =	sst s10  }
0x35: {  	s10 =	sld [smem:$0x3FBA];
	_ =	sdelay $0x3  }
0x36: {  	p1 =	seq.s32 s10, $0x1;
	s10 =	sld [smem:$0x3FBB];
	_ =	sdelay $0x3  }
0x37: {  	[smem:$0x3FBB] =	sst s10  }
0x38: {  	s10 =	sld [smem:$0x3FBC]  }
0x39: {  	_ = 	snop;
	(pc) =	sbr.ind lr, $3  }
0x3a: {  	_ = 	snop  }
0x3b: {  	_ = 	snop  }
0x3c: {  	p2 =	seq.s32 s10, $0x1;
	s10 =	sld [smem:$0x3FBB]  }
0x3d: {  	_ =	shalt  }
0x3e: {  	_ =	shalt  }
0x3f: {  	_ =	shalt  }
0x40: {  	_ =	shalt  }
0x41: {  	_ =	shalt  }
0x42: {  	_ =	shalt  }
0x43: {  	_ =	shalt  }
0x44: {  	_ =	shalt  }
0x45: {  	_ =	shalt  }
0x46: {  	_ =	shalt  }
0x47: {  	_ =	shalt  }
0x48: {  	_ =	shalt  }
0x49: {  	_ =	shalt  }
0x4a: {  	_ =	shalt  }
0x4b: {  	_ =	shalt  }
0x4c: {  	_ =	shalt  }
0x4d: {  	_ =	shalt  }
0x4e: {  	_ =	shalt  }
0x4f: {  	_ =	shalt  }
0x50: {  	_ =	shalt  }
0x51: {  	_ =	shalt  }
0x52: {  	_ =	shalt  }
0x53: {  	_ =	shalt  }
0x54: {  	_ =	shalt  }
0x55: {  	_ =	shalt  }
0x56: {  	_ =	shalt  }
0x57: {  	_ =	shalt  }
0x58: {  	_ =	shalt  }
0x59: {  	_ =	shalt  }
0x5a: {  	_ =	shalt  }
0x5b: {  	_ =	shalt  }
0x5c: {  	_ =	shalt  }
0x5d: {  	_ =	shalt  }
0x5e: {  	_ =	shalt  }
0x5f: {  	_ =	shalt  }
0x60: {  	_ =	shalt  }
0x61: {  	_ =	shalt  }
0x62: {  	_ =	shalt  }
0x63: {  	_ =	shalt  }
0x64: {  	_ =	shalt  }
0x65: {  	_ =	shalt  }
0x66: {  	_ =	shalt  }
0x67: {  	_ =	shalt  }
0x68: {  	_ =	shalt  }
0x69: {  	_ =	shalt  }
0x6a: {  	_ =	shalt  }
0x6b: {  	_ =	shalt  }
0x6c: {  	_ =	shalt  }
0x6d: {  	_ =	shalt  }
0x6e: {  	_ =	shalt  }
0x6f: {  	_ =	shalt  }
0x70: {  	_ =	shalt  }
0x71: {  	_ =	shalt  }
0x72: {  	_ =	shalt  }
0x73: {  	_ =	shalt  }
0x74: {  	_ =	shalt  }
0x75: {  	_ =	shalt  }
0x76: {  	_ =	shalt  }
0x77: {  	_ =	shalt  }
0x78: {  	_ =	shalt  }
0x79: {  	_ =	shalt  }
0x7a: {  	_ =	shalt  }
0x7b: {  	_ =	shalt  }
0x7c: {  	_ =	shalt  }
0x7d: {  	_ =	shalt  }
0x7e: {  	_ =	shalt  }
0x7f: {  	_ =	shalt  }
0x80: {  	_ =	shalt  }
0x81: {  	_ =	shalt  }
0x82: {  	_ =	shalt  }
0x83: {  	_ =	shalt  }
0x84: {  	_ =	shalt  }
0x85: {  	_ =	shalt  }
0x86: {  	_ =	shalt  }
0x87: {  	_ =	shalt  }
.Lfunc_end0:
.L_simem_size_0:
called_computation_lowered:
.L_overlay_start_0:
0x88: {  	s2 =	sld [smem:$0x3FD9]  }
0x89: {  	s3 =	sld [smem:$0x3FFE];
	_ =	sdelay $0x1  }
0x8a: {  	s1 =	srdreg.scid  }
0x8b: {  	s0 =	sand.u32 $0x1, s1  }
0x8c: {  	s14 =	sshll.u32 s0, $0xA;
	s2 =	sadd.s32 s3, s2  }
0x8d: {  	s2 =	sadd.s32 s2, s14  }
0x8e: {  	[smem:$0x3FC7] =	sst s2  }
0x8f: {  	_ = 	snop  }
0x90: {  	s2 =	sld [smem:$0x3FD0];
	_ =	sdelay $0x2  }
0x91: {  	s15 =	simm.s32 $0xA;
	s4 =	simm.s32 $0x10  }
0x92: {  	[smem:s4], [sflag:s15] =	dma.local [hbm:s2], $0x1  }
0x93: {  	_ =	swait.eq [sflag:s15], $0x1  }
0x94: {  	[sflag:s15] =	ssyncset.done $0x0  }
0x95: {  	[sflag:s15] =	ssyncadd.s32 $0xFFFFFFFF  }
0x96: {  	s16 =	sld [smem:$0x12];
	(tm) =	ssettm $0x1  }
0x97: {  	s17 =	sld [smem:$0x3FFB];
	_ =	sdelay $0x3  }
0x98: {  	_ =	strace s17  }
0x99: {  	s3 =	sld [smem:$0x3FFC];
	_ =	sdelay $0x3  }
0x9a: {  	_ =	strace s3  }
0x9b: {  	s3 =	sld [smem:$0x3FFD];
	_ =	sdelay $0x3  }
0x9c: {  	_ =	strace s3  }
0x9d: {  	_ =	strace $0x8FFFFFFF  }
0x9e: {  	s18 =	sld [smem:$0x3FDB];
	_ =	sdelay $0x1  }
0x9f: {  	s19 =	simm.s32 $_scs_section_size  }
0xa0: {  	s5 =	simm.s32 $_size__tile_overlayer_lowered;
	s6 =	simm.s32 $_tile_overlayer_lowered  }
0xa1: {  	s22 =	simm.s32 $0x1BFF;
	s21 =	sshll.u32 s6, $0x1;
	s3 =	sadd.s32 s19, s18  }
0xa2: {  	s7 =	simm.s32 $0x0;
	s20 =	sshll.u32 s5, $0x1;
	s5 =	sadd.s32 s21, s3  }
0xa3: {  	[timem:s7], [sflag:s22] =	dma.local [hbm:s5], s20  }
0xa4: {  	_ =	swait.ge [sflag:s22], s20  }
0xa5: {  	s4 =	ssub.s32 $0x0, s20;
	[sflag:s22] =	ssyncset.done $0x0  }
0xa6: {  	[sflag:s22] =	ssyncadd.s32 s4;
	_ =	sdelay $0x1  }
0xa7: {  	s23 =	simm.s32 $0x1B8B  }
0xa8: {  	_ =	swait.ge [sflag:s23], $0x1  }
0xa9: {  	[sflag:s23] =	ssyncset.done $0x0  }
0xaa: {  	s25 =	simm.s32 $0x1B8E;
	s24 =	sld [smem:$0x3FFE];
	[sflag:s23] =	ssyncadd.s32 $0xFFFFFFFF  }
0xab: {  	s26 =	simm.s32 $execute0_lowered;
	[smem:$0x3FD2] =	sst s25  }
0xac: {  	s5 =	sshll.u32 s26, $0x1;
	_ =	strace $0x80000046;
	[dreg:$0x1] =	wrdreg $0xFFFFFFFF  }
0xad: {  	s28 =	simm.s32 $_size_execute0_lowered;
	s3 =	sadd.s32 s3, s5;
	[dreg:$0x0] =	wrdreg $0x0  }
0xae: {  	s5 =	sshll.u32 s28, $0x1;
	[dreg:$0x2] =	wrdreg s3  }
0xaf: {  	[dreg:$0x3] =	wrdreg s5  }
0xb0: {  	[dreg:$0x4] =	wrdreg $0xC0  }
0xb1: {  	_ =	task [dreg:s7], $0x5FFFF  }
0xb2: {  	[dreg:$0x1] =	wrdreg $0xFFFFFFFF  }
0xb3: {  	[dreg:$0x0] =	wrdreg $0x60  }
0xb4: {  	[dreg:$0x2] =	wrdreg s24  }
0xb5: {  	[dreg:$0x3] =	wrdreg s16  }
0xb6: {  	[dreg:$0x4] =	wrdreg $0x9  }
0xb7: {  	_ =	task.clear_ibuf [dreg:s7], $0x5FFFF;
	_ =	strace $0x90000046  }
0xb8: {  	s29 =	simm.s32 $0x9;
	_ =	strace $0x80000048  }
0xb9: {  	_ =	swait.ge [sflag:s29], $0x1  }
0xba: {  	[sflag:s29] =	ssyncadd.s32 $0xFFFFFFFF  }
0xbb: {  	_ =	strace $0x90000048  }
0xbc: {  	_ =	sfence  }
0xbd: {  	s30 =	sld [smem:$0x0];
	_ =	sdelay $0x2  }
0xbe: {  	s31 =	sshll.u32 s1, $0xD;
	s1 =	sshrl.u32 s1, $0x2  }
0xbf: {  	s3 =	sand.u32 $0x4000, s31;
	s1 =	sadd.s32 s1, s30  }
0xc0: {  	s0 =	sor.u32 s3, s0;
	s1 =	sshll.u32 s1, $0x11  }
0xc1: {  	s0 =	sor.u32 s1, s0  }
0xc2: {  	s0 =	sadd.s32 $0x8F2B, s0  }
0xc3: {  	[sflag:s0] =	ssyncadd.remote.s32 $0x1  }
0xc4: {  	_ =	sfence.sel $0xFFFF  }
0xc5: {  	[dreg:$0x0] =	wrdreg $0xFFFFFFFF;
	(pc) =	sbr.abs _section_cstart, $3  }
0xc6: {  	[dreg:$0x1] =	wrdreg $0xFFFFFFFF  }
0xc7: {  	_ =	task.clear_ibuf [dreg:s7], $0x2FFFF;
	_ =	strace $0x9FFFFFFF  }
0xc8: {  	(tm) =	ssettm $0x7FFFFFFF  }
0xc9: {  	_ =	shalt  }
tec
execute0_lowered:
.L_overlay_start_1:
0x0: {  	(tag) =	ssettag $0x1  }
0x1: {  	s2 =	rddreg [dreg:$0x0];
	s0 =	srdreg.scid  }
0x2: {  	s3 =	rddreg [dreg:$0x1];
	s1 =	stileid.u32;
	s6 =	simm.s32 $0x2  }
0x3: {  	s10 =	simm.s32 $0x3;
	s12 =	simm.s32 $0x0;
	s4 =	sshll.u32 s0, $0xB  }
0x4: {  	s0 =	rddreg [dreg:$0x2];
	s5 =	sshll.u32 s1, $0xC;
	s4 =	sand.u32 $0x800, s4  }
0x5: {  	_ =	strace $0x80000047;
	s4 =	sor.u32 s5, s4;
	s5 =	simm.s32 $0x1  }
0x6: {  	s7 =	sshrl.u32 s4, $0x3;
	s8 =	ssub.s32 $0x10000, s4;
	[sflag:s5] =	ssyncpa.u1 $0x0  }
.Ltmp0:
0x7: {  	s9 =	sand.u32 $0xF800, s8;
	[sflag:s6] =	ssyncpa.u1 $0x0;
	(pc) =	sbr.rel .LBB2_1-.Ltmp0, $4  }
0x8: {  	s8 =	sshrl.u32 s8, $0x10;
	p0 =	sne.s32 s9, $0x0;
	s9 =	simm.s32 $0x1  }
0x9: {  	s11 =	sadd.s32 s7, s2;
	[sflag:s10] =	ssyncpa.u1 $0x0;
	s9 =	simm.s32 @!p0 $0x0  }
0xa: {  	s10 =	simm.s32 $0x0;
	p0 =	por $0x0, $0x0;
	s7 =	sadd.s32 s9, s8  }
0xb: {  	vm0 =	vmmov $0xffff;
	s8 =	sadd.s32 $0x280000, s11;
	s11 =	simm.s32 $0x0;
	s9 =	sadd.s32 $0x1, s7  }
.LBB2_4:
0xc: {  	_ =	sdelay $0x3  }
0xd: {  	[tilespmem:s20], [sflag:$0x1] =	stream.indirect_vreg.gather [hbm4b:s2+s10], $0x1, v0, vm0, $0x4038;
	[tilespmem:$0x5000] =	vst v63  }
0xe: {  	s14 =	sadd.s32 s17, s14  }
0xf: {  	v0 =	vld.msk [tilespmem:s14+$0x0 ss:$0x1], $0xffff;
	_ =	sdelay $0x4  }
0x10: {  	v1 =	vshrl.u32 v0, $0xB  }
0x11: {  	vm1 =	veq.s32 v0, $0x80000000;
	v1 =	vand.u32 $0x7FF, v1  }
0x12: {  	v0 =	vshll.u32 v0, $0xD;
	v1 =	vsel vm1, $0xFFFFFFFF, v1  }
0x13: {  	v0 =	vand.u32 $0xFFE000, v0;
	v2 =	vshll.u32 v1, $0x2  }
0x14: {  	v0 =	vsel vm1, $0xFFFFE000, v0;
	v2 =	vand.u32 $0xFFFFFE00, v2  }
0x15: {  	v1 =	vand.u32 $0x7F, v1;
	v0 =	vadd.s32 v0, v2  }
0x16: {  	v0 =	vor.u32 v1, v0;
	_ =	sdelay $0x1  }
0x17: {  	s28 =	sand.u32 $0x1E00, s16  }
0x18: {  	s15 =	sand.u32 $0x70, s15;
	(ifvalue) =	ssetifvalue $0x7FFFFFFF;
	s14 =	sadd.s32 s28, s13;
	v1 =	vor.u32 $0x80, v0  }
0x19: {  	s14 =	sadd.s32 s15, s14;
	(ifvalue) =	ssetifvalue $0x7FFFFFFF  }
0x1a: {  	[tilespmem:s14], [sflag:$0x1] =	stream.indirect_vreg.gather [hbm4b:s2+s10], $0x1, v0, vm0, $0x4038;
	[tilespmem:$0x5000] =	vst v63  }
0x1b: {  	v63 =	vor.u32 $0x100, v0;
	(ifvalue) =	ssetifvalue $0x7FFFFFFF  }
0x1c: {  	s15 =	sadd.s32 $0x80, s14;
	(ifvalue) =	ssetifvalue $0x7FFFFFFF  }
0x1d: {  	[tilespmem:s15], [sflag:$0x1] =	stream.indirect_vreg.gather [hbm4b:s2+s10], $0x1, v1, vm0, $0x4038;
	[tilespmem:$0x5000] =	vst v63  }
0x1e: {  	v0 =	vor.u32 $0x180, v0;
	(ifvalue) =	ssetifvalue $0x7FFFFFFF  }
0x1f: {  	s29 =	sadd.s32 $0x100, s14;
	(ifvalue) =	ssetifvalue $0x7FFFFFFF  }
0x20: {  	[tilespmem:s29], [sflag:$0x1] =	stream.indirect_vreg.gather [hbm4b:s2+s10], $0x1, v63, vm0, $0x4038;
	[tilespmem:$0x5000] =	vst v63  }
0x21: {  	(ifvalue) =	ssetifvalue $0x7FFFFFFF  }
0x22: {  	s30 =	sshll.u32 s12, $0x2;
	s14 =	sadd.s32 $0x180, s14;
	(ifvalue) =	ssetifvalue $0x7FFFFFFF  }
0x23: {  	[tilespmem:s14], [sflag:$0x1] =	stream.indirect_vreg.gather [hbm4b:s2+s10], $0x1, v0, vm0, $0x4038;
	[tilespmem:$0x5000] =	vst v63  }
0x24: {  	s31 =	sand.u32 $0x78, s12;
	s14 =	sand.u32 $0x7FFFFE00, s30  }
0x25: {  	_ =	swait.ge [sflag:s5], $0x2000;
	s12 =	sor.u32 s31, s14  }
0x26: {  	[sflag:s5] =	ssyncset.done $0x0;
	s12 =	sshrl.u32 s12, $0x3  }
0x27: {  	[sflag:s5] =	ssyncadd.s32 $0xFFFFE000;
	s12 =	sadd.s32 s3, s12  }
0x28: {  	[hbm:s12] =	stream.linear.scatter [tilespmem:s13], [sflag:$0x3], $0x2000, $0x38;
	[tilespmem:$0x5000] =	vst v63  }
.LBB2_5:
0x29: {  	p2 =	sne.s32 s11, s9  }
.Ltmp1:
0x2a: {  	p1 =	slt.u32 s11, $0x2;
	(pc) =	sbr.rel @!p2 .LBB2_6-.Ltmp1, $4  }
0x2b: {  	s12 =	simm.s32 @!p1 $0x3  }
0x2c: {  	_ =	swait.ge @!p1 [sflag:s12], $0x2000  }
0x2d: {  	s13 =	sadd.s32 $0x1, s11;
	p0 =	por !p0, !p0;
	[sflag:s12] =	ssyncset.done @!p1 $0x0  }
0x2e: {  	s11 =	smov.u32 s13;
	[sflag:s12] =	ssyncadd.s32 @!p1 $0xFFFFE000;
	s12 =	smov.u32 s4  }
.LBB2_1:
0x2f: {  	p1 =	sge.u32 s11, s7  }
0x30: {  	s13 =	sxor.u32 @!p1 $0xFFFFFFFF, s11  }
0x31: {  	s13 =	sshll.u32 @!p1 s13, $0xB  }
0x32: {  	s31 =	sadd.s32 $0xFFFFFFFF, s11;
	s14 =	simm.s32 @!p1 $0x0;
	s13 =	sand.u32 @!p1 $0x800, s13  }
0x33: {  	[tilespmem:s13], [sflag:$0x2] =	stream.linear.gather @!p1 [hbm4b:s8+s14], $0x800, $0x38;
	[tilespmem:$0x5000] =	vst v63  }
0x34: {  	p1 =	sge.u32 s31, s7  }
.Ltmp2:
0x35: {  	_ = 	snop;
	(pc) =	sbr.rel @p1 .LBB2_5-.Ltmp2, $1  }
0x36: {  	_ =	sdelay $0x3  }
0x37: {  	s13 =	simm.s32 $0x1  }
0x38: {  	_ =	swait.ge [sflag:s6], $0x800;
	s13 =	simm.s32 @!p0 $0x0  }
0x39: {  	[sflag:s6] =	ssyncset.done $0x0;
	s14 =	sshll.u32 s13, $0xB  }
0x3a: {  	[sflag:s6] =	ssyncadd.s32 $0xFFFFF800;
	s13 =	sadd.s32 $0x0, s14  }
0x3b: {  	v0 =	vld.msk [tilespmem:s13+$0x0 ss:$0x1], $0xffff;
	_ =	sdelay $0x4  }
0x3c: {  	v1 =	vshrl.u32 v0, $0xB  }
0x3d: {  	vm1 =	veq.s32 v0, $0x80000000;
	v1 =	vand.u32 $0x7FF, v1  }
0x3e: {  	v0 =	vshll.u32 v0, $0xD;
	v1 =	vsel vm1, $0xFFFFFFFF, v1  }
0x3f: {  	v0 =	vand.u32 $0xFFE000, v0;
	v2 =	vshll.u32 v1, $0x2  }
0x40: {  	v0 =	vsel vm1, $0xFFFFE000, v0;
	v2 =	vand.u32 $0xFFFFFE00, v2  }
0x41: {  	v1 =	vand.u32 $0x7F, v1;
	v0 =	vadd.s32 v0, v2  }
0x42: {  	s31 =	sshll.u32 s11, $0xD;
	v0 =	vor.u32 v1, v0  }
0x43: {  	s15 =	simm.s32 $0x0;
	s13 =	sand.u32 $0x2000, s31  }
0x44: {  	s16 =	sand.u32 $0x1E00, s15;
	s13 =	sor.u32 $0x1000, s13  }
0x45: {  	s15 =	sand.u32 $0x70, s15;
	(ifvalue) =	ssetifvalue $0x7FFFFFFF;
	s16 =	sadd.s32 s16, s13;
	v1 =	vor.u32 $0x80, v0  }
0x46: {  	(ifvalue) =	ssetifvalue $0x7FFFFFFF;
	s20 =	sadd.s32 s15, s16  }
0x47: {  	[tilespmem:s20], [sflag:$0x1] =	stream.indirect_vreg.gather [hbm4b:s2+s10], $0x1, v0, vm0, $0x4038;
	[tilespmem:$0x5000] =	vst v63  }
0x48: {  	v2 =	vor.u32 $0x100, v0;
	(ifvalue) =	ssetifvalue $0x7FFFFFFF  }
0x49: {  	s15 =	sadd.s32 $0x80, s20;
	(ifvalue) =	ssetifvalue $0x7FFFFFFF  }
0x4a: {  	[tilespmem:s15], [sflag:$0x1] =	stream.indirect_vreg.gather [hbm4b:s2+s10], $0x1, v1, vm0, $0x4038;
	[tilespmem:$0x5000] =	vst v63  }
0x4b: {  	s18 =	simm.s32 $0x20;
	v0 =	vor.u32 $0x180, v0;
	(ifvalue) =	ssetifvalue $0x7FFFFFFF  }
0x4c: {  	s19 =	simm.s32 $0x80;
	s17 =	sadd.s32 $0x100, s20;
	(ifvalue) =	ssetifvalue $0x7FFFFFFF  }
0x4d: {  	[tilespmem:s17], [sflag:$0x1] =	stream.indirect_vreg.gather [hbm4b:s2+s10], $0x1, v2, vm0, $0x4038;
	[tilespmem:$0x5000] =	vst v63  }
0x4e: {  	s16 =	simm.s32 $0x40;
	s20 =	sadd.s32 $0x180, s20;
	(ifvalue) =	ssetifvalue $0x7FFFFFFF  }
0x4f: {  	s15 =	simm.s32 $0x10;
	s17 =	simm.s32 $0x10;
	(ifvalue) =	ssetifvalue $0x7FFFFFFF  }
.LBB2_3:
0x50: {  	[tilespmem:s20], [sflag:$0x1] =	stream.indirect_vreg.gather [hbm4b:s2+s10], $0x1, v0, vm0, $0x4038;
	[tilespmem:$0x5000] =	vst v63  }
0x51: {  	p1 =	sne.s32 s18, $0x7F0;
	s20 =	sadd.s32 s17, s14;
	s17 =	sshra.s32 s19, $0x2  }
0x52: {  	v0 =	vld.msk [tilespmem:s20+$0x0 ss:$0x1], $0xffff;
	s20 =	smov.u32 s18;
	s18 =	sadd.s32 $0x10, s18  }
0x53: {  	(ifvalue) =	ssetifvalue $0x7FFFFFFF;
	_ =	sdelay $0x4  }
0x54: {  	v1 =	vshrl.u32 v0, $0xB;
	v2 =	vshll.u32 v0, $0xD  }
0x55: {  	vm1 =	veq.s32 v0, $0x80000000;
	v0 =	vand.u32 $0x7FF, v1;
	v1 =	vand.u32 $0xFFE000, v2  }
0x56: {  	v0 =	vsel vm1, $0xFFFFFFFF, v0;
	v1 =	vsel vm1, $0xFFFFE000, v1  }
0x57: {  	v2 =	vshll.u32 v0, $0x2  }
0x58: {  	v2 =	vand.u32 $0xFFFFFE00, v2  }
0x59: {  	v0 =	vand.u32 $0x7F, v0;
	v1 =	vadd.s32 v1, v2  }
0x5a: {  	v0 =	vor.u32 v0, v1;
	_ =	sdelay $0x1  }
0x5b: {  	s21 =	sand.u32 $0x1E00, s16;
	s16 =	smov.u32 s19  }
0x5c: {  	s22 =	sand.u32 $0x70, s15;
	s21 =	sadd.s32 s21, s13;
	s15 =	smov.u32 s20;
	v1 =	vor.u32 $0x80, v0  }
0x5d: {  	s20 =	sadd.s32 s22, s21;
	(ifvalue) =	ssetifvalue $0x7FFFFFFF  }
0x5e: {  	[tilespmem:s20], [sflag:$0x1] =	stream.indirect_vreg.gather [hbm4b:s2+s10], $0x1, v0, vm0, $0x4038;
	[tilespmem:$0x5000] =	vst v63  }
0x5f: {  	v2 =	vor.u32 $0x100, v0;
	(ifvalue) =	ssetifvalue $0x7FFFFFFF  }
0x60: {  	s21 =	sadd.s32 $0x80, s20;
	(ifvalue) =	ssetifvalue $0x7FFFFFFF  }
0x61: {  	[tilespmem:s21], [sflag:$0x1] =	stream.indirect_vreg.gather [hbm4b:s2+s10], $0x1, v1, vm0, $0x4038;
	[tilespmem:$0x5000] =	vst v63  }
.Ltmp3:
0x62: {  	v0 =	vor.u32 $0x180, v0;
	(ifvalue) =	ssetifvalue $0x7FFFFFFF;
	(pc) =	sbr.rel @p1 .LBB2_3-.Ltmp3, $4  }
0x63: {  	s21 =	sadd.s32 $0x100, s20;
	(ifvalue) =	ssetifvalue $0x7FFFFFFF  }
0x64: {  	[tilespmem:s21], [sflag:$0x1] =	stream.indirect_vreg.gather [hbm4b:s2+s10], $0x1, v2, vm0, $0x4038;
	[tilespmem:$0x5000] =	vst v63  }
0x65: {  	(ifvalue) =	ssetifvalue $0x7FFFFFFF  }
0x66: {  	s19 =	sadd.s32 $0x40, s19;
	s20 =	sadd.s32 $0x180, s20;
	(ifvalue) =	ssetifvalue $0x7FFFFFFF  }
.Ltmp4:
0x67: {  	_ = 	snop;
	(pc) =	sbr.rel .LBB2_4-.Ltmp4, $1  }
0x68: {  	_ =	sdelay $0x3  }
.LBB2_6:
0x69: {  	_ =	sfence.sel $0x180000  }
0x6a: {  	s2 =	simm.s32 $0x2;
	[bflag:$0x0] =	sbarrier.arrive $0xFFFF  }
0x6b: {  	s30 =	simm.s32 $0x3;
	[sflag:s2] =	ssyncpa.u1 $0x1  }
0x6c: {  	s31 =	simm.s32 $0x1;
	[sflag:s30] =	ssyncpa.u1 $0x1  }
0x6d: {  	[sflag:s31] =	ssyncpa.u1 $0x1  }
0x6e: {  	p0 =	sne.s32 s1, $0x0;
	_ =	strace $0x90000047  }
0x6f: {  	s0 =	sadd.s32 @!p0 $0x100000, s0;
	[bflag:$0x2] =	sbarrier.arrive $0xFFFF  }
0x70: {  	[sflag:s0] =	ssyncadd.tile.s32 @!p0 $0x1;
	_ =	shalt  }
.Lfunc_end2:
_tile_overlayer_lowered:
.L_overlay_start_2:
0x71: {  	(tag) =	ssettag $0x2  }
0x72: {  	s0 =	rddreg [dreg:$0x0];
	s2 =	stileid.u32  }
0x73: {  	s1 =	rddreg [dreg:$0x1];
	p0 =	sne.s32 s2, $0x0  }
0x74: {  	s3 =	rddreg [dreg:$0x2];
	[bflag:$0x3] =	sbarrier.arrive $0xFFFF;
	s2 =	simm.s32 @!p0 $0x1C01  }
0x75: {  	[timem:s3], [sflag:s2] =	dma.local @!p0 [hbm:s0], s1  }
0x76: {  	s0 =	simm.s32 @!p0 $0x1  }
0x77: {  	_ =	swait.ge @!p0 [sflag:s0], s1  }
0x78: {  	s1 =	ssub.s32 @!p0 $0x0, s1;
	[sflag:s0] =	ssyncset.done @!p0 $0x0  }
0x79: {  	[sflag:s0] =	ssyncadd.s32 @!p0 s1  }
0x7a: {  	[bflag:$0x3] =	sbarrier.arrive $0xFFFF  }
0x7b: {  	_ =	shalt  }

</sc_bundles>
